<compile_context>
chip_gen: v7x
topology: tpu7x:2x2x1
jax: 0.10.2.dev20260603
libtpu: 0.0.44.dev20260713+nightly
codegen_flags: <defaults>
</compile_context>

<pallas_src>
import functools

import jax
import jax.numpy as jnp
from jax import lax
from jax.experimental import pallas as pl
from jax.experimental.pallas import tpu as pltpu
from jax.experimental.pallas import tpu_sc as plsc

NC = 2
NS = 16
NW = NC * NS
LANES = 16
GATHER = 128
GPC = 4
CHUNK = GATHER * GPC
SCALE = 8.0


@functools.partial(jax.jit, static_argnums=(2, 3))
def _embed(idx, table, n_chunks, d):
  b = idx.shape[0] * idx.shape[1] * idx.shape[2]
  per_w = b // NW
  mesh = plsc.VectorSubcoreMesh(core_axis_name="c", subcore_axis_name="s")

  @functools.partial(
      pl.kernel,
      mesh=mesh,
      out_type=jax.ShapeDtypeStruct((b, d), jnp.float32),
      scratch_types=[
          pltpu.VMEM((n_chunks * GPC, GATHER), jnp.int32),
          pltpu.VMEM((CHUNK, d), jnp.float32),
          pltpu.SemaphoreType.DMA,
      ],
      compiler_params=pltpu.CompilerParams(use_tc_tiling_on_sc=False),
  )
  def k(idx_hbm, table_hbm, out_hbm, idx_v, rows_v, sem):
    wid = lax.axis_index("s") * NC + lax.axis_index("c")
    pltpu.sync_copy(idx_hbm.at[wid], idx_v)

    def chunk_body(c, carry):
      copies = [
          pltpu.async_copy(
              table_hbm.at[idx_v.at[c * GPC + g]],
              rows_v.at[pl.ds(g * GATHER, GATHER)],
              sem,
          )
          for g in range(GPC)
      ]
      for cp in copies:
        cp.wait()

      def scale_body(i, carry2):
        for r in range(4):
          for j in range(d // LANES):
            sl = (i * 4 + r, pl.ds(j * LANES, LANES))
            rows_v[sl] = rows_v[sl] * SCALE
        return carry2

      lax.fori_loop(0, CHUNK // 4, scale_body, 0)

      pltpu.sync_copy(
          rows_v, out_hbm.at[pl.ds(wid * per_w + c * CHUNK, CHUNK)]
      )
      return carry

    lax.fori_loop(0, n_chunks, chunk_body, 0)

  return k(idx, table)


def kernel(input_tensor, table):
  batch, hist = input_tensor.shape
  vocab, d = table.shape
  b = batch * hist
  per_w = b // NW
  n_chunks = per_w // CHUNK
  idx = input_tensor.reshape(-1).astype(jnp.int32).reshape(NW, per_w // GATHER, GATHER)
  out = _embed(idx, table, n_chunks, d)
  return out.reshape(batch, hist, d)

# --- scband reference (transcript-rebuilt; emitter-appended) ---
"""Pipeline reference for scband-token-embedding-53515292508194 (READ-ONLY COPY).

The authoritative reference and input builder live on the scoring server;
editing this copy changes nothing except your own understanding.
"""

import math
import jax, jax.numpy as jnp
import numpy as np

VOCAB = 1000000
TOKEN = 64
BATCH = 4096
HIST = 200

def setup_inputs(seed: int = 0) -> dict:
    key = jax.random.key(seed)
    k_idx, k_tab = jax.random.split(key)
    input_tensor = jax.random.randint(k_idx, (BATCH, HIST), 0, VOCAB, dtype=jnp.int64 if jax.config.jax_enable_x64 else jnp.int32)
    table = jax.random.normal(k_tab, (VOCAB, TOKEN), dtype=jnp.float32)
    return {"input_tensor": input_tensor, "table": table}

def reference(input_tensor, table):
    # TokenEmbedding.forward: embedding lookup scaled by sqrt(token dim)
    emb = jnp.take(table, input_tensor, axis=0)
    return emb * math.sqrt(TOKEN)

if __name__ == "__main__":
    import jax
    _d = setup_inputs()
    print(jax.jit(kernel)(*tuple(_d.values())))

</pallas_src>

<mosaic_0001>
#map = affine_map<(d0, d1) -> (0, 0, 0)>
#map1 = affine_map<(d0, d1) -> (0, 0)>
module attributes {stable_mosaic.version = 14 : i64} {
  func.func @k(%arg0: i32, %arg1: i32, %arg2: memref<32x200x128xi32, #tpu.memory_space<hbm>>, %arg3: memref<1000000x64xf32, #tpu.memory_space<hbm>>, %arg4: memref<819200x64xf32, #tpu.memory_space<hbm>>, %arg5: memref<200x128xi32, #tpu.memory_space<vmem>>, %arg6: memref<512x64xf32, #tpu.memory_space<vmem>>, %arg7: memref<!tpu.dma_semaphore, #tpu.memory_space<semaphore_mem>>) attributes {dimension_semantics = [#tpu.dimension_semantics<core_parallel>, #tpu.dimension_semantics<subcore_parallel>], iteration_bounds = array<i64: 2, 16>, scalar_prefetch = 0 : i64, scratch_operands = 3 : i64, tpu.core_type = #tpu.core_type<sc_vector_subcore>, window_params = [{transform_indices = #map}, {transform_indices = #map1}, {transform_indices = #map1}]} {
    %mul3A = arith.constant 2 : i32
    %mul3A_0 = arith.muli %arg1, %mul3A : i32
    %add3A = arith.addi %mul3A_0, %arg0 : i32
    "tpu.region"() ({
      %run_scoped3A = tpu.sem_alloc : memref<!tpu.dma_semaphore, #tpu.memory_space<semaphore_mem>>
      %dma_start3A = arith.constant 0 : i32
      %dma_start3A_6 = arith.constant 0 : i32
      %dma_start3A_7 = tpu.memref_slice %arg2[%add3A, %dma_start3A, %dma_start3A_6] : memref<32x200x128xi32, #tpu.memory_space<hbm>> -> memref<1x200x128xi32, #tpu.memory_space<hbm>>
      %dma_start3A_8 = tpu.memref_squeeze %dma_start3A_7 : memref<1x200x128xi32, #tpu.memory_space<hbm>> -> memref<200x128xi32, #tpu.memory_space<hbm>>
      %dma_start3A_9 = arith.constant 0 : i32
      %dma_start3A_10 = arith.constant 0 : i32
      %dma_start3A_11 = tpu.memref_slice %arg2[%add3A, %dma_start3A_9, %dma_start3A_10] : memref<32x200x128xi32, #tpu.memory_space<hbm>> -> memref<1x200x128xi32, #tpu.memory_space<hbm>>
      %dma_start3A_12 = tpu.memref_squeeze %dma_start3A_11 : memref<1x200x128xi32, #tpu.memory_space<hbm>> -> memref<200x128xi32, #tpu.memory_space<hbm>>
      tpu.enqueue_dma source(%dma_start3A_12 : memref<200x128xi32, #tpu.memory_space<hbm>>) target(%arg5 : memref<200x128xi32, #tpu.memory_space<vmem>>) target_semaphore(%run_scoped3A : memref<!tpu.dma_semaphore, #tpu.memory_space<semaphore_mem>>)
      %dma_wait3A = arith.constant 0 : i32
      %dma_wait3A_13 = arith.constant 0 : i32
      %dma_wait3A_14 = tpu.memref_slice %arg2[%add3A, %dma_wait3A, %dma_wait3A_13] : memref<32x200x128xi32, #tpu.memory_space<hbm>> -> memref<1x200x128xi32, #tpu.memory_space<hbm>>
      %dma_wait3A_15 = tpu.memref_squeeze %dma_wait3A_14 : memref<1x200x128xi32, #tpu.memory_space<hbm>> -> memref<200x128xi32, #tpu.memory_space<hbm>>
      %dma_wait3A_16 = arith.constant 0 : i32
      %dma_wait3A_17 = arith.constant 0 : i32
      %dma_wait3A_18 = tpu.memref_slice %arg2[%add3A, %dma_wait3A_16, %dma_wait3A_17] : memref<32x200x128xi32, #tpu.memory_space<hbm>> -> memref<1x200x128xi32, #tpu.memory_space<hbm>>
      %dma_wait3A_19 = tpu.memref_squeeze %dma_wait3A_18 : memref<1x200x128xi32, #tpu.memory_space<hbm>> -> memref<200x128xi32, #tpu.memory_space<hbm>>
      tpu.wait_dma2 semaphore(%run_scoped3A : memref<!tpu.dma_semaphore, #tpu.memory_space<semaphore_mem>>) src(%dma_wait3A_19 : memref<200x128xi32, #tpu.memory_space<hbm>>) dst(%arg5 : memref<200x128xi32, #tpu.memory_space<vmem>>)
      tpu.yield
    }) : () -> ()
    %scan3A = arith.constant 0 : i32
    %scan3A_1 = arith.constant 0 : i32
    %scan3A_2 = arith.constant 50 : i32
    %scan3A_3 = arith.addi %scan3A_1, %scan3A_2 : i32
    %scan3A_4 = arith.constant 1 : i32
    scf.for %scan3A_6 = %scan3A_1 to %scan3A_3 step %scan3A_4  : i32 {
      %mul3A_7 = arith.constant 4 : i32
      %mul3A_8 = arith.muli %scan3A_6, %mul3A_7 : i32
      %add3A_9 = arith.constant 0 : i32
      %add3A_10 = arith.addi %mul3A_8, %add3A_9 : i32
      %dma_start3A = arith.constant 0 : i32
      %dma_start3A_11 = arith.constant 0 : i32
      %dma_start3A_12 = tpu.memref_slice %arg6[%dma_start3A, %dma_start3A_11] : memref<512x64xf32, #tpu.memory_space<vmem>> -> memref<128x64xf32, #tpu.memory_space<vmem>>
      %dma_start3A_13 = arith.constant 0 : i32
      %dma_start3A_14 = tpu.memref_slice %arg5[%add3A_10, %dma_start3A_13] : memref<200x128xi32, #tpu.memory_space<vmem>> -> memref<1x128xi32, #tpu.memory_space<vmem>>
      %dma_start3A_15 = tpu.memref_squeeze %dma_start3A_14 : memref<1x128xi32, #tpu.memory_space<vmem>> -> memref<128xi32, #tpu.memory_space<vmem>>
      %dma_start3A_16 = arith.constant 0 : i32
      %dma_start3A_17 = arith.constant 0 : i32
      %dma_start3A_18 = tpu.memref_slice %arg3[%dma_start3A_16, %dma_start3A_17] : memref<1000000x64xf32, #tpu.memory_space<hbm>> -> memref<1000000x64xf32, #tpu.memory_space<hbm>>
      tpu.enqueue_indirect_dma source(%dma_start3A_18 : memref<1000000x64xf32, #tpu.memory_space<hbm>>) target(%dma_start3A_12 : memref<128x64xf32, #tpu.memory_space<vmem>>) offsets(%dma_start3A_15 : memref<128xi32, #tpu.memory_space<vmem>>) semaphore(%arg7 : memref<!tpu.dma_semaphore, #tpu.memory_space<semaphore_mem>>)
      %mul3A_19 = arith.constant 4 : i32
      %mul3A_20 = arith.muli %scan3A_6, %mul3A_19 : i32
      %add3A_21 = arith.constant 1 : i32
      %add3A_22 = arith.addi %mul3A_20, %add3A_21 : i32
      %dma_start3A_23 = arith.constant 128 : i32
      %dma_start3A_24 = arith.constant 0 : i32
      %dma_start3A_25 = tpu.memref_slice %arg6[%dma_start3A_23, %dma_start3A_24] : memref<512x64xf32, #tpu.memory_space<vmem>> -> memref<128x64xf32, #tpu.memory_space<vmem>>
      %dma_start3A_26 = arith.constant 0 : i32
      %dma_start3A_27 = tpu.memref_slice %arg5[%add3A_22, %dma_start3A_26] : memref<200x128xi32, #tpu.memory_space<vmem>> -> memref<1x128xi32, #tpu.memory_space<vmem>>
      %dma_start3A_28 = tpu.memref_squeeze %dma_start3A_27 : memref<1x128xi32, #tpu.memory_space<vmem>> -> memref<128xi32, #tpu.memory_space<vmem>>
      %dma_start3A_29 = arith.constant 0 : i32
      %dma_start3A_30 = arith.constant 0 : i32
      %dma_start3A_31 = tpu.memref_slice %arg3[%dma_start3A_29, %dma_start3A_30] : memref<1000000x64xf32, #tpu.memory_space<hbm>> -> memref<1000000x64xf32, #tpu.memory_space<hbm>>
      tpu.enqueue_indirect_dma source(%dma_start3A_31 : memref<1000000x64xf32, #tpu.memory_space<hbm>>) target(%dma_start3A_25 : memref<128x64xf32, #tpu.memory_space<vmem>>) offsets(%dma_start3A_28 : memref<128xi32, #tpu.memory_space<vmem>>) semaphore(%arg7 : memref<!tpu.dma_semaphore, #tpu.memory_space<semaphore_mem>>)
      %mul3A_32 = arith.constant 4 : i32
      %mul3A_33 = arith.muli %scan3A_6, %mul3A_32 : i32
      %add3A_34 = arith.constant 2 : i32
      %add3A_35 = arith.addi %mul3A_33, %add3A_34 : i32
      %dma_start3A_36 = arith.constant 256 : i32
      %dma_start3A_37 = arith.constant 0 : i32
      %dma_start3A_38 = tpu.memref_slice %arg6[%dma_start3A_36, %dma_start3A_37] : memref<512x64xf32, #tpu.memory_space<vmem>> -> memref<128x64xf32, #tpu.memory_space<vmem>>
      %dma_start3A_39 = arith.constant 0 : i32
      %dma_start3A_40 = tpu.memref_slice %arg5[%add3A_35, %dma_start3A_39] : memref<200x128xi32, #tpu.memory_space<vmem>> -> memref<1x128xi32, #tpu.memory_space<vmem>>
      %dma_start3A_41 = tpu.memref_squeeze %dma_start3A_40 : memref<1x128xi32, #tpu.memory_space<vmem>> -> memref<128xi32, #tpu.memory_space<vmem>>
      %dma_start3A_42 = arith.constant 0 : i32
      %dma_start3A_43 = arith.constant 0 : i32
      %dma_start3A_44 = tpu.memref_slice %arg3[%dma_start3A_42, %dma_start3A_43] : memref<1000000x64xf32, #tpu.memory_space<hbm>> -> memref<1000000x64xf32, #tpu.memory_space<hbm>>
      tpu.enqueue_indirect_dma source(%dma_start3A_44 : memref<1000000x64xf32, #tpu.memory_space<hbm>>) target(%dma_start3A_38 : memref<128x64xf32, #tpu.memory_space<vmem>>) offsets(%dma_start3A_41 : memref<128xi32, #tpu.memory_space<vmem>>) semaphore(%arg7 : memref<!tpu.dma_semaphore, #tpu.memory_space<semaphore_mem>>)
      %mul3A_45 = arith.constant 4 : i32
      %mul3A_46 = arith.muli %scan3A_6, %mul3A_45 : i32
      %add3A_47 = arith.constant 3 : i32
      %add3A_48 = arith.addi %mul3A_46, %add3A_47 : i32
      %dma_start3A_49 = arith.constant 384 : i32
      %dma_start3A_50 = arith.constant 0 : i32
      %dma_start3A_51 = tpu.memref_slice %arg6[%dma_start3A_49, %dma_start3A_50] : memref<512x64xf32, #tpu.memory_space<vmem>> -> memref<128x64xf32, #tpu.memory_space<vmem>>
      %dma_start3A_52 = arith.constant 0 : i32
      %dma_start3A_53 = tpu.memref_slice %arg5[%add3A_48, %dma_start3A_52] : memref<200x128xi32, #tpu.memory_space<vmem>> -> memref<1x128xi32, #tpu.memory_space<vmem>>
      %dma_start3A_54 = tpu.memref_squeeze %dma_start3A_53 : memref<1x128xi32, #tpu.memory_space<vmem>> -> memref<128xi32, #tpu.memory_space<vmem>>
      %dma_start3A_55 = arith.constant 0 : i32
      %dma_start3A_56 = arith.constant 0 : i32
      %dma_start3A_57 = tpu.memref_slice %arg3[%dma_start3A_55, %dma_start3A_56] : memref<1000000x64xf32, #tpu.memory_space<hbm>> -> memref<1000000x64xf32, #tpu.memory_space<hbm>>
      tpu.enqueue_indirect_dma source(%dma_start3A_57 : memref<1000000x64xf32, #tpu.memory_space<hbm>>) target(%dma_start3A_51 : memref<128x64xf32, #tpu.memory_space<vmem>>) offsets(%dma_start3A_54 : memref<128xi32, #tpu.memory_space<vmem>>) semaphore(%arg7 : memref<!tpu.dma_semaphore, #tpu.memory_space<semaphore_mem>>)
      %dma_wait3A = arith.constant 0 : i32
      %dma_wait3A_58 = arith.constant 0 : i32
      %dma_wait3A_59 = tpu.memref_slice %arg6[%dma_wait3A, %dma_wait3A_58] : memref<512x64xf32, #tpu.memory_space<vmem>> -> memref<128x64xf32, #tpu.memory_space<vmem>>
      %dma_wait3A_60 = arith.constant 0 : i32
      %dma_wait3A_61 = tpu.memref_slice %arg5[%add3A_10, %dma_wait3A_60] : memref<200x128xi32, #tpu.memory_space<vmem>> -> memref<1x128xi32, #tpu.memory_space<vmem>>
      %dma_wait3A_62 = tpu.memref_squeeze %dma_wait3A_61 : memref<1x128xi32, #tpu.memory_space<vmem>> -> memref<128xi32, #tpu.memory_space<vmem>>
      %dma_wait3A_63 = arith.constant 0 : i32
      %dma_wait3A_64 = arith.constant 0 : i32
      %dma_wait3A_65 = tpu.memref_slice %arg3[%dma_wait3A_63, %dma_wait3A_64] : memref<1000000x64xf32, #tpu.memory_space<hbm>> -> memref<1000000x64xf32, #tpu.memory_space<hbm>>
      tpu.wait_indirect_dma semaphore(%arg7 : memref<!tpu.dma_semaphore, #tpu.memory_space<semaphore_mem>>) src(%dma_wait3A_65 : memref<1000000x64xf32, #tpu.memory_space<hbm>>) dst(%dma_wait3A_59 : memref<128x64xf32, #tpu.memory_space<vmem>>)
      %dma_wait3A_66 = arith.constant 128 : i32
      %dma_wait3A_67 = arith.constant 0 : i32
      %dma_wait3A_68 = tpu.memref_slice %arg6[%dma_wait3A_66, %dma_wait3A_67] : memref<512x64xf32, #tpu.memory_space<vmem>> -> memref<128x64xf32, #tpu.memory_space<vmem>>
      %dma_wait3A_69 = arith.constant 0 : i32
      %dma_wait3A_70 = tpu.memref_slice %arg5[%add3A_22, %dma_wait3A_69] : memref<200x128xi32, #tpu.memory_space<vmem>> -> memref<1x128xi32, #tpu.memory_space<vmem>>
      %dma_wait3A_71 = tpu.memref_squeeze %dma_wait3A_70 : memref<1x128xi32, #tpu.memory_space<vmem>> -> memref<128xi32, #tpu.memory_space<vmem>>
      %dma_wait3A_72 = arith.constant 0 : i32
      %dma_wait3A_73 = arith.constant 0 : i32
      %dma_wait3A_74 = tpu.memref_slice %arg3[%dma_wait3A_72, %dma_wait3A_73] : memref<1000000x64xf32, #tpu.memory_space<hbm>> -> memref<1000000x64xf32, #tpu.memory_space<hbm>>
      tpu.wait_indirect_dma semaphore(%arg7 : memref<!tpu.dma_semaphore, #tpu.memory_space<semaphore_mem>>) src(%dma_wait3A_74 : memref<1000000x64xf32, #tpu.memory_space<hbm>>) dst(%dma_wait3A_68 : memref<128x64xf32, #tpu.memory_space<vmem>>)
      %dma_wait3A_75 = arith.constant 256 : i32
      %dma_wait3A_76 = arith.constant 0 : i32
      %dma_wait3A_77 = tpu.memref_slice %arg6[%dma_wait3A_75, %dma_wait3A_76] : memref<512x64xf32, #tpu.memory_space<vmem>> -> memref<128x64xf32, #tpu.memory_space<vmem>>
      %dma_wait3A_78 = arith.constant 0 : i32
      %dma_wait3A_79 = tpu.memref_slice %arg5[%add3A_35, %dma_wait3A_78] : memref<200x128xi32, #tpu.memory_space<vmem>> -> memref<1x128xi32, #tpu.memory_space<vmem>>
      %dma_wait3A_80 = tpu.memref_squeeze %dma_wait3A_79 : memref<1x128xi32, #tpu.memory_space<vmem>> -> memref<128xi32, #tpu.memory_space<vmem>>
      %dma_wait3A_81 = arith.constant 0 : i32
      %dma_wait3A_82 = arith.constant 0 : i32
      %dma_wait3A_83 = tpu.memref_slice %arg3[%dma_wait3A_81, %dma_wait3A_82] : memref<1000000x64xf32, #tpu.memory_space<hbm>> -> memref<1000000x64xf32, #tpu.memory_space<hbm>>
      tpu.wait_indirect_dma semaphore(%arg7 : memref<!tpu.dma_semaphore, #tpu.memory_space<semaphore_mem>>) src(%dma_wait3A_83 : memref<1000000x64xf32, #tpu.memory_space<hbm>>) dst(%dma_wait3A_77 : memref<128x64xf32, #tpu.memory_space<vmem>>)
      %dma_wait3A_84 = arith.constant 384 : i32
      %dma_wait3A_85 = arith.constant 0 : i32
      %dma_wait3A_86 = tpu.memref_slice %arg6[%dma_wait3A_84, %dma_wait3A_85] : memref<512x64xf32, #tpu.memory_space<vmem>> -> memref<128x64xf32, #tpu.memory_space<vmem>>
      %dma_wait3A_87 = arith.constant 0 : i32
      %dma_wait3A_88 = tpu.memref_slice %arg5[%add3A_48, %dma_wait3A_87] : memref<200x128xi32, #tpu.memory_space<vmem>> -> memref<1x128xi32, #tpu.memory_space<vmem>>
      %dma_wait3A_89 = tpu.memref_squeeze %dma_wait3A_88 : memref<1x128xi32, #tpu.memory_space<vmem>> -> memref<128xi32, #tpu.memory_space<vmem>>
      %dma_wait3A_90 = arith.constant 0 : i32
      %dma_wait3A_91 = arith.constant 0 : i32
      %dma_wait3A_92 = tpu.memref_slice %arg3[%dma_wait3A_90, %dma_wait3A_91] : memref<1000000x64xf32, #tpu.memory_space<hbm>> -> memref<1000000x64xf32, #tpu.memory_space<hbm>>
      tpu.wait_indirect_dma semaphore(%arg7 : memref<!tpu.dma_semaphore, #tpu.memory_space<semaphore_mem>>) src(%dma_wait3A_92 : memref<1000000x64xf32, #tpu.memory_space<hbm>>) dst(%dma_wait3A_86 : memref<128x64xf32, #tpu.memory_space<vmem>>)
      %scan3A_93 = arith.constant 0 : i32
      %scan3A_94 = arith.constant 0 : i32
      %scan3A_95 = arith.constant 128 : i32
      %scan3A_96 = arith.addi %scan3A_94, %scan3A_95 : i32
      %scan3A_97 = arith.constant 1 : i32
      scf.for %scan3A_104 = %scan3A_94 to %scan3A_96 step %scan3A_97  : i32 {
        %mul3A_105 = arith.constant 4 : i32
        %mul3A_106 = arith.muli %scan3A_104, %mul3A_105 : i32
        %add3A_107 = arith.constant 0 : i32
        %add3A_108 = arith.addi %mul3A_106, %add3A_107 : i32
        %get3A = arith.index_cast %add3A_108 : i32 to index
        %get3A_109 = arith.constant 0 : index
        %get3A_110 = tpu.vector_load %arg6[%get3A, %get3A_109] {strides = array<i32>} : memref<512x64xf32, #tpu.memory_space<vmem>>, vector<1x16xf32>,
        %get3A_111 = vector.shape_cast %get3A_110 : vector<1x16xf32> to vector<16xf32>
        %mul3A_112 = arith.constant 8.000000e+00 : f32
        %mul3A_113 = vector.broadcast %mul3A_112 : f32 to vector<16xf32>
        %mul3A_114 = arith.mulf %get3A_111, %mul3A_113 : vector<16xf32>
        %swap3A = arith.index_cast %add3A_108 : i32 to index
        %swap3A_115 = arith.constant 0 : index
        %swap3A_116 = tpu.vector_load %arg6[%swap3A, %swap3A_115] {strides = array<i32>} : memref<512x64xf32, #tpu.memory_space<vmem>>, vector<1x16xf32>,
        %swap3A_117 = vector.shape_cast %swap3A_116 : vector<1x16xf32> to vector<16xf32>
        %swap3A_118 = vector.shape_cast %mul3A_114 : vector<16xf32> to vector<1x16xf32>
        tpu.vector_store %arg6[%swap3A, %swap3A_115], %swap3A_118 {strides = array<i32>} : memref<512x64xf32, #tpu.memory_space<vmem>>, vector<1x16xf32>,
        %mul3A_119 = arith.constant 4 : i32
        %mul3A_120 = arith.muli %scan3A_104, %mul3A_119 : i32
        %add3A_121 = arith.constant 0 : i32
        %add3A_122 = arith.addi %mul3A_120, %add3A_121 : i32
        %get3A_123 = arith.index_cast %add3A_122 : i32 to index
        %get3A_124 = arith.constant 16 : index
        %get3A_125 = tpu.vector_load %arg6[%get3A_123, %get3A_124] {strides = array<i32>} : memref<512x64xf32, #tpu.memory_space<vmem>>, vector<1x16xf32>,
        %get3A_126 = vector.shape_cast %get3A_125 : vector<1x16xf32> to vector<16xf32>
        %mul3A_127 = arith.constant 8.000000e+00 : f32
        %mul3A_128 = vector.broadcast %mul3A_127 : f32 to vector<16xf32>
        %mul3A_129 = arith.mulf %get3A_126, %mul3A_128 : vector<16xf32>
        %swap3A_130 = arith.index_cast %add3A_122 : i32 to index
        %swap3A_131 = arith.constant 16 : index
        %swap3A_132 = tpu.vector_load %arg6[%swap3A_130, %swap3A_131] {strides = array<i32>} : memref<512x64xf32, #tpu.memory_space<vmem>>, vector<1x16xf32>,
        %swap3A_133 = vector.shape_cast %swap3A_132 : vector<1x16xf32> to vector<16xf32>
        %swap3A_134 = vector.shape_cast %mul3A_129 : vector<16xf32> to vector<1x16xf32>
        tpu.vector_store %arg6[%swap3A_130, %swap3A_131], %swap3A_134 {strides = array<i32>} : memref<512x64xf32, #tpu.memory_space<vmem>>, vector<1x16xf32>,
        %mul3A_135 = arith.constant 4 : i32
        %mul3A_136 = arith.muli %scan3A_104, %mul3A_135 : i32
        %add3A_137 = arith.constant 0 : i32
        %add3A_138 = arith.addi %mul3A_136, %add3A_137 : i32
        %get3A_139 = arith.index_cast %add3A_138 : i32 to index
        %get3A_140 = arith.constant 32 : index
        %get3A_141 = tpu.vector_load %arg6[%get3A_139, %get3A_140] {strides = array<i32>} : memref<512x64xf32, #tpu.memory_space<vmem>>, vector<1x16xf32>,
        %get3A_142 = vector.shape_cast %get3A_141 : vector<1x16xf32> to vector<16xf32>
        %mul3A_143 = arith.constant 8.000000e+00 : f32
        %mul3A_144 = vector.broadcast %mul3A_143 : f32 to vector<16xf32>
        %mul3A_145 = arith.mulf %get3A_142, %mul3A_144 : vector<16xf32>
        %swap3A_146 = arith.index_cast %add3A_138 : i32 to index
        %swap3A_147 = arith.constant 32 : index
        %swap3A_148 = tpu.vector_load %arg6[%swap3A_146, %swap3A_147] {strides = array<i32>} : memref<512x64xf32, #tpu.memory_space<vmem>>, vector<1x16xf32>,
        %swap3A_149 = vector.shape_cast %swap3A_148 : vector<1x16xf32> to vector<16xf32>
        %swap3A_150 = vector.shape_cast %mul3A_145 : vector<16xf32> to vector<1x16xf32>
        tpu.vector_store %arg6[%swap3A_146, %swap3A_147], %swap3A_150 {strides = array<i32>} : memref<512x64xf32, #tpu.memory_space<vmem>>, vector<1x16xf32>,
        %mul3A_151 = arith.constant 4 : i32
        %mul3A_152 = arith.muli %scan3A_104, %mul3A_151 : i32
        %add3A_153 = arith.constant 0 : i32
        %add3A_154 = arith.addi %mul3A_152, %add3A_153 : i32
        %get3A_155 = arith.index_cast %add3A_154 : i32 to index
        %get3A_156 = arith.constant 48 : index
        %get3A_157 = tpu.vector_load %arg6[%get3A_155, %get3A_156] {strides = array<i32>} : memref<512x64xf32, #tpu.memory_space<vmem>>, vector<1x16xf32>,
        %get3A_158 = vector.shape_cast %get3A_157 : vector<1x16xf32> to vector<16xf32>
        %mul3A_159 = arith.constant 8.000000e+00 : f32
        %mul3A_160 = vector.broadcast %mul3A_159 : f32 to vector<16xf32>
        %mul3A_161 = arith.mulf %get3A_158, %mul3A_160 : vector<16xf32>
        %swap3A_162 = arith.index_cast %add3A_154 : i32 to index
        %swap3A_163 = arith.constant 48 : index
        %swap3A_164 = tpu.vector_load %arg6[%swap3A_162, %swap3A_163] {strides = array<i32>} : memref<512x64xf32, #tpu.memory_space<vmem>>, vector<1x16xf32>,
        %swap3A_165 = vector.shape_cast %swap3A_164 : vector<1x16xf32> to vector<16xf32>
        %swap3A_166 = vector.shape_cast %mul3A_161 : vector<16xf32> to vector<1x16xf32>
        tpu.vector_store %arg6[%swap3A_162, %swap3A_163], %swap3A_166 {strides = array<i32>} : memref<512x64xf32, #tpu.memory_space<vmem>>, vector<1x16xf32>,
        %mul3A_167 = arith.constant 4 : i32
        %mul3A_168 = arith.muli %scan3A_104, %mul3A_167 : i32
        %add3A_169 = arith.constant 1 : i32
        %add3A_170 = arith.addi %mul3A_168, %add3A_169 : i32
        %get3A_171 = arith.index_cast %add3A_170 : i32 to index
        %get3A_172 = arith.constant 0 : index
        %get3A_173 = tpu.vector_load %arg6[%get3A_171, %get3A_172] {strides = array<i32>} : memref<512x64xf32, #tpu.memory_space<vmem>>, vector<1x16xf32>,
        %get3A_174 = vector.shape_cast %get3A_173 : vector<1x16xf32> to vector<16xf32>
        %mul3A_175 = arith.constant 8.000000e+00 : f32
        %mul3A_176 = vector.broadcast %mul3A_175 : f32 to vector<16xf32>
        %mul3A_177 = arith.mulf %get3A_174, %mul3A_176 : vector<16xf32>
        %swap3A_178 = arith.index_cast %add3A_170 : i32 to index
        %swap3A_179 = arith.constant 0 : index
        %swap3A_180 = tpu.vector_load %arg6[%swap3A_178, %swap3A_179] {strides = array<i32>} : memref<512x64xf32, #tpu.memory_space<vmem>>, vector<1x16xf32>,
        %swap3A_181 = vector.shape_cast %swap3A_180 : vector<1x16xf32> to vector<16xf32>
        %swap3A_182 = vector.shape_cast %mul3A_177 : vector<16xf32> to vector<1x16xf32>
        tpu.vector_store %arg6[%swap3A_178, %swap3A_179], %swap3A_182 {strides = array<i32>} : memref<512x64xf32, #tpu.memory_space<vmem>>, vector<1x16xf32>,
        %mul3A_183 = arith.constant 4 : i32
        %mul3A_184 = arith.muli %scan3A_104, %mul3A_183 : i32
        %add3A_185 = arith.constant 1 : i32
        %add3A_186 = arith.addi %mul3A_184, %add3A_185 : i32
        %get3A_187 = arith.index_cast %add3A_186 : i32 to index
        %get3A_188 = arith.constant 16 : index
        %get3A_189 = tpu.vector_load %arg6[%get3A_187, %get3A_188] {strides = array<i32>} : memref<512x64xf32, #tpu.memory_space<vmem>>, vector<1x16xf32>,
        %get3A_190 = vector.shape_cast %get3A_189 : vector<1x16xf32> to vector<16xf32>
        %mul3A_191 = arith.constant 8.000000e+00 : f32
        %mul3A_192 = vector.broadcast %mul3A_191 : f32 to vector<16xf32>
        %mul3A_193 = arith.mulf %get3A_190, %mul3A_192 : vector<16xf32>
        %swap3A_194 = arith.index_cast %add3A_186 : i32 to index
        %swap3A_195 = arith.constant 16 : index
        %swap3A_196 = tpu.vector_load %arg6[%swap3A_194, %swap3A_195] {strides = array<i32>} : memref<512x64xf32, #tpu.memory_space<vmem>>, vector<1x16xf32>,
        %swap3A_197 = vector.shape_cast %swap3A_196 : vector<1x16xf32> to vector<16xf32>
        %swap3A_198 = vector.shape_cast %mul3A_193 : vector<16xf32> to vector<1x16xf32>
        tpu.vector_store %arg6[%swap3A_194, %swap3A_195], %swap3A_198 {strides = array<i32>} : memref<512x64xf32, #tpu.memory_space<vmem>>, vector<1x16xf32>,
        %mul3A_199 = arith.constant 4 : i32
        %mul3A_200 = arith.muli %scan3A_104, %mul3A_199 : i32
        %add3A_201 = arith.constant 1 : i32
        %add3A_202 = arith.addi %mul3A_200, %add3A_201 : i32
        %get3A_203 = arith.index_cast %add3A_202 : i32 to index
        %get3A_204 = arith.constant 32 : index
        %get3A_205 = tpu.vector_load %arg6[%get3A_203, %get3A_204] {strides = array<i32>} : memref<512x64xf32, #tpu.memory_space<vmem>>, vector<1x16xf32>,
        %get3A_206 = vector.shape_cast %get3A_205 : vector<1x16xf32> to vector<16xf32>
        %mul3A_207 = arith.constant 8.000000e+00 : f32
        %mul3A_208 = vector.broadcast %mul3A_207 : f32 to vector<16xf32>
        %mul3A_209 = arith.mulf %get3A_206, %mul3A_208 : vector<16xf32>
        %swap3A_210 = arith.index_cast %add3A_202 : i32 to index
        %swap3A_211 = arith.constant 32 : index
        %swap3A_212 = tpu.vector_load %arg6[%swap3A_210, %swap3A_211] {strides = array<i32>} : memref<512x64xf32, #tpu.memory_space<vmem>>, vector<1x16xf32>,
        %swap3A_213 = vector.shape_cast %swap3A_212 : vector<1x16xf32> to vector<16xf32>
        %swap3A_214 = vector.shape_cast %mul3A_209 : vector<16xf32> to vector<1x16xf32>
        tpu.vector_store %arg6[%swap3A_210, %swap3A_211], %swap3A_214 {strides = array<i32>} : memref<512x64xf32, #tpu.memory_space<vmem>>, vector<1x16xf32>,
        %mul3A_215 = arith.constant 4 : i32
        %mul3A_216 = arith.muli %scan3A_104, %mul3A_215 : i32
        %add3A_217 = arith.constant 1 : i32
        %add3A_218 = arith.addi %mul3A_216, %add3A_217 : i32
        %get3A_219 = arith.index_cast %add3A_218 : i32 to index
        %get3A_220 = arith.constant 48 : index
        %get3A_221 = tpu.vector_load %arg6[%get3A_219, %get3A_220] {strides = array<i32>} : memref<512x64xf32, #tpu.memory_space<vmem>>, vector<1x16xf32>,
        %get3A_222 = vector.shape_cast %get3A_221 : vector<1x16xf32> to vector<16xf32>
        %mul3A_223 = arith.constant 8.000000e+00 : f32
        %mul3A_224 = vector.broadcast %mul3A_223 : f32 to vector<16xf32>
        %mul3A_225 = arith.mulf %get3A_222, %mul3A_224 : vector<16xf32>
        %swap3A_226 = arith.index_cast %add3A_218 : i32 to index
        %swap3A_227 = arith.constant 48 : index
        %swap3A_228 = tpu.vector_load %arg6[%swap3A_226, %swap3A_227] {strides = array<i32>} : memref<512x64xf32, #tpu.memory_space<vmem>>, vector<1x16xf32>,
        %swap3A_229 = vector.shape_cast %swap3A_228 : vector<1x16xf32> to vector<16xf32>
        %swap3A_230 = vector.shape_cast %mul3A_225 : vector<16xf32> to vector<1x16xf32>
        tpu.vector_store %arg6[%swap3A_226, %swap3A_227], %swap3A_230 {strides = array<i32>} : memref<512x64xf32, #tpu.memory_space<vmem>>, vector<1x16xf32>,
        %mul3A_231 = arith.constant 4 : i32
        %mul3A_232 = arith.muli %scan3A_104, %mul3A_231 : i32
        %add3A_233 = arith.constant 2 : i32
        %add3A_234 = arith.addi %mul3A_232, %add3A_233 : i32
        %get3A_235 = arith.index_cast %add3A_234 : i32 to index
        %get3A_236 = arith.constant 0 : index
        %get3A_237 = tpu.vector_load %arg6[%get3A_235, %get3A_236] {strides = array<i32>} : memref<512x64xf32, #tpu.memory_space<vmem>>, vector<1x16xf32>,
        %get3A_238 = vector.shape_cast %get3A_237 : vector<1x16xf32> to vector<16xf32>
        %mul3A_239 = arith.constant 8.000000e+00 : f32
        %mul3A_240 = vector.broadcast %mul3A_239 : f32 to vector<16xf32>
        %mul3A_241 = arith.mulf %get3A_238, %mul3A_240 : vector<16xf32>
        %swap3A_242 = arith.index_cast %add3A_234 : i32 to index
        %swap3A_243 = arith.constant 0 : index
        %swap3A_244 = tpu.vector_load %arg6[%swap3A_242, %swap3A_243] {strides = array<i32>} : memref<512x64xf32, #tpu.memory_space<vmem>>, vector<1x16xf32>,
        %swap3A_245 = vector.shape_cast %swap3A_244 : vector<1x16xf32> to vector<16xf32>
        %swap3A_246 = vector.shape_cast %mul3A_241 : vector<16xf32> to vector<1x16xf32>
        tpu.vector_store %arg6[%swap3A_242, %swap3A_243], %swap3A_246 {strides = array<i32>} : memref<512x64xf32, #tpu.memory_space<vmem>>, vector<1x16xf32>,
        %mul3A_247 = arith.constant 4 : i32
        %mul3A_248 = arith.muli %scan3A_104, %mul3A_247 : i32
        %add3A_249 = arith.constant 2 : i32
        %add3A_250 = arith.addi %mul3A_248, %add3A_249 : i32
        %get3A_251 = arith.index_cast %add3A_250 : i32 to index
        %get3A_252 = arith.constant 16 : index
        %get3A_253 = tpu.vector_load %arg6[%get3A_251, %get3A_252] {strides = array<i32>} : memref<512x64xf32, #tpu.memory_space<vmem>>, vector<1x16xf32>,
        %get3A_254 = vector.shape_cast %get3A_253 : vector<1x16xf32> to vector<16xf32>
        %mul3A_255 = arith.constant 8.000000e+00 : f32
        %mul3A_256 = vector.broadcast %mul3A_255 : f32 to vector<16xf32>
        %mul3A_257 = arith.mulf %get3A_254, %mul3A_256 : vector<16xf32>
        %swap3A_258 = arith.index_cast %add3A_250 : i32 to index
        %swap3A_259 = arith.constant 16 : index
        %swap3A_260 = tpu.vector_load %arg6[%swap3A_258, %swap3A_259] {strides = array<i32>} : memref<512x64xf32, #tpu.memory_space<vmem>>, vector<1x16xf32>,
        %swap3A_261 = vector.shape_cast %swap3A_260 : vector<1x16xf32> to vector<16xf32>
        %swap3A_262 = vector.shape_cast %mul3A_257 : vector<16xf32> to vector<1x16xf32>
        tpu.vector_store %arg6[%swap3A_258, %swap3A_259], %swap3A_262 {strides = array<i32>} : memref<512x64xf32, #tpu.memory_space<vmem>>, vector<1x16xf32>,
        %mul3A_263 = arith.constant 4 : i32
        %mul3A_264 = arith.muli %scan3A_104, %mul3A_263 : i32
        %add3A_265 = arith.constant 2 : i32
        %add3A_266 = arith.addi %mul3A_264, %add3A_265 : i32
        %get3A_267 = arith.index_cast %add3A_266 : i32 to index
        %get3A_268 = arith.constant 32 : index
        %get3A_269 = tpu.vector_load %arg6[%get3A_267, %get3A_268] {strides = array<i32>} : memref<512x64xf32, #tpu.memory_space<vmem>>, vector<1x16xf32>,
        %get3A_270 = vector.shape_cast %get3A_269 : vector<1x16xf32> to vector<16xf32>
        %mul3A_271 = arith.constant 8.000000e+00 : f32
        %mul3A_272 = vector.broadcast %mul3A_271 : f32 to vector<16xf32>
        %mul3A_273 = arith.mulf %get3A_270, %mul3A_272 : vector<16xf32>
        %swap3A_274 = arith.index_cast %add3A_266 : i32 to index
        %swap3A_275 = arith.constant 32 : index
        %swap3A_276 = tpu.vector_load %arg6[%swap3A_274, %swap3A_275] {strides = array<i32>} : memref<512x64xf32, #tpu.memory_space<vmem>>, vector<1x16xf32>,
        %swap3A_277 = vector.shape_cast %swap3A_276 : vector<1x16xf32> to vector<16xf32>
        %swap3A_278 = vector.shape_cast %mul3A_273 : vector<16xf32> to vector<1x16xf32>
        tpu.vector_store %arg6[%swap3A_274, %swap3A_275], %swap3A_278 {strides = array<i32>} : memref<512x64xf32, #tpu.memory_space<vmem>>, vector<1x16xf32>,
        %mul3A_279 = arith.constant 4 : i32
        %mul3A_280 = arith.muli %scan3A_104, %mul3A_279 : i32
        %add3A_281 = arith.constant 2 : i32
        %add3A_282 = arith.addi %mul3A_280, %add3A_281 : i32
        %get3A_283 = arith.index_cast %add3A_282 : i32 to index
        %get3A_284 = arith.constant 48 : index
        %get3A_285 = tpu.vector_load %arg6[%get3A_283, %get3A_284] {strides = array<i32>} : memref<512x64xf32, #tpu.memory_space<vmem>>, vector<1x16xf32>,
        %get3A_286 = vector.shape_cast %get3A_285 : vector<1x16xf32> to vector<16xf32>
        %mul3A_287 = arith.constant 8.000000e+00 : f32
        %mul3A_288 = vector.broadcast %mul3A_287 : f32 to vector<16xf32>
        %mul3A_289 = arith.mulf %get3A_286, %mul3A_288 : vector<16xf32>
        %swap3A_290 = arith.index_cast %add3A_282 : i32 to index
        %swap3A_291 = arith.constant 48 : index
        %swap3A_292 = tpu.vector_load %arg6[%swap3A_290, %swap3A_291] {strides = array<i32>} : memref<512x64xf32, #tpu.memory_space<vmem>>, vector<1x16xf32>,
        %swap3A_293 = vector.shape_cast %swap3A_292 : vector<1x16xf32> to vector<16xf32>
        %swap3A_294 = vector.shape_cast %mul3A_289 : vector<16xf32> to vector<1x16xf32>
        tpu.vector_store %arg6[%swap3A_290, %swap3A_291], %swap3A_294 {strides = array<i32>} : memref<512x64xf32, #tpu.memory_space<vmem>>, vector<1x16xf32>,
        %mul3A_295 = arith.constant 4 : i32
        %mul3A_296 = arith.muli %scan3A_104, %mul3A_295 : i32
        %add3A_297 = arith.constant 3 : i32
        %add3A_298 = arith.addi %mul3A_296, %add3A_297 : i32
        %get3A_299 = arith.index_cast %add3A_298 : i32 to index
        %get3A_300 = arith.constant 0 : index
        %get3A_301 = tpu.vector_load %arg6[%get3A_299, %get3A_300] {strides = array<i32>} : memref<512x64xf32, #tpu.memory_space<vmem>>, vector<1x16xf32>,
        %get3A_302 = vector.shape_cast %get3A_301 : vector<1x16xf32> to vector<16xf32>
        %mul3A_303 = arith.constant 8.000000e+00 : f32
        %mul3A_304 = vector.broadcast %mul3A_303 : f32 to vector<16xf32>
        %mul3A_305 = arith.mulf %get3A_302, %mul3A_304 : vector<16xf32>
        %swap3A_306 = arith.index_cast %add3A_298 : i32 to index
        %swap3A_307 = arith.constant 0 : index
        %swap3A_308 = tpu.vector_load %arg6[%swap3A_306, %swap3A_307] {strides = array<i32>} : memref<512x64xf32, #tpu.memory_space<vmem>>, vector<1x16xf32>,
        %swap3A_309 = vector.shape_cast %swap3A_308 : vector<1x16xf32> to vector<16xf32>
        %swap3A_310 = vector.shape_cast %mul3A_305 : vector<16xf32> to vector<1x16xf32>
        tpu.vector_store %arg6[%swap3A_306, %swap3A_307], %swap3A_310 {strides = array<i32>} : memref<512x64xf32, #tpu.memory_space<vmem>>, vector<1x16xf32>,
        %mul3A_311 = arith.constant 4 : i32
        %mul3A_312 = arith.muli %scan3A_104, %mul3A_311 : i32
        %add3A_313 = arith.constant 3 : i32
        %add3A_314 = arith.addi %mul3A_312, %add3A_313 : i32
        %get3A_315 = arith.index_cast %add3A_314 : i32 to index
        %get3A_316 = arith.constant 16 : index
        %get3A_317 = tpu.vector_load %arg6[%get3A_315, %get3A_316] {strides = array<i32>} : memref<512x64xf32, #tpu.memory_space<vmem>>, vector<1x16xf32>,
        %get3A_318 = vector.shape_cast %get3A_317 : vector<1x16xf32> to vector<16xf32>
        %mul3A_319 = arith.constant 8.000000e+00 : f32
        %mul3A_320 = vector.broadcast %mul3A_319 : f32 to vector<16xf32>
        %mul3A_321 = arith.mulf %get3A_318, %mul3A_320 : vector<16xf32>
        %swap3A_322 = arith.index_cast %add3A_314 : i32 to index
        %swap3A_323 = arith.constant 16 : index
        %swap3A_324 = tpu.vector_load %arg6[%swap3A_322, %swap3A_323] {strides = array<i32>} : memref<512x64xf32, #tpu.memory_space<vmem>>, vector<1x16xf32>,
        %swap3A_325 = vector.shape_cast %swap3A_324 : vector<1x16xf32> to vector<16xf32>
        %swap3A_326 = vector.shape_cast %mul3A_321 : vector<16xf32> to vector<1x16xf32>
        tpu.vector_store %arg6[%swap3A_322, %swap3A_323], %swap3A_326 {strides = array<i32>} : memref<512x64xf32, #tpu.memory_space<vmem>>, vector<1x16xf32>,
        %mul3A_327 = arith.constant 4 : i32
        %mul3A_328 = arith.muli %scan3A_104, %mul3A_327 : i32
        %add3A_329 = arith.constant 3 : i32
        %add3A_330 = arith.addi %mul3A_328, %add3A_329 : i32
        %get3A_331 = arith.index_cast %add3A_330 : i32 to index
        %get3A_332 = arith.constant 32 : index
        %get3A_333 = tpu.vector_load %arg6[%get3A_331, %get3A_332] {strides = array<i32>} : memref<512x64xf32, #tpu.memory_space<vmem>>, vector<1x16xf32>,
        %get3A_334 = vector.shape_cast %get3A_333 : vector<1x16xf32> to vector<16xf32>
        %mul3A_335 = arith.constant 8.000000e+00 : f32
        %mul3A_336 = vector.broadcast %mul3A_335 : f32 to vector<16xf32>
        %mul3A_337 = arith.mulf %get3A_334, %mul3A_336 : vector<16xf32>
        %swap3A_338 = arith.index_cast %add3A_330 : i32 to index
        %swap3A_339 = arith.constant 32 : index
        %swap3A_340 = tpu.vector_load %arg6[%swap3A_338, %swap3A_339] {strides = array<i32>} : memref<512x64xf32, #tpu.memory_space<vmem>>, vector<1x16xf32>,
        %swap3A_341 = vector.shape_cast %swap3A_340 : vector<1x16xf32> to vector<16xf32>
        %swap3A_342 = vector.shape_cast %mul3A_337 : vector<16xf32> to vector<1x16xf32>
        tpu.vector_store %arg6[%swap3A_338, %swap3A_339], %swap3A_342 {strides = array<i32>} : memref<512x64xf32, #tpu.memory_space<vmem>>, vector<1x16xf32>,
        %mul3A_343 = arith.constant 4 : i32
        %mul3A_344 = arith.muli %scan3A_104, %mul3A_343 : i32
        %add3A_345 = arith.constant 3 : i32
        %add3A_346 = arith.addi %mul3A_344, %add3A_345 : i32
        %get3A_347 = arith.index_cast %add3A_346 : i32 to index
        %get3A_348 = arith.constant 48 : index
        %get3A_349 = tpu.vector_load %arg6[%get3A_347, %get3A_348] {strides = array<i32>} : memref<512x64xf32, #tpu.memory_space<vmem>>, vector<1x16xf32>,
        %get3A_350 = vector.shape_cast %get3A_349 : vector<1x16xf32> to vector<16xf32>
        %mul3A_351 = arith.constant 8.000000e+00 : f32
        %mul3A_352 = vector.broadcast %mul3A_351 : f32 to vector<16xf32>
        %mul3A_353 = arith.mulf %get3A_350, %mul3A_352 : vector<16xf32>
        %swap3A_354 = arith.index_cast %add3A_346 : i32 to index
        %swap3A_355 = arith.constant 48 : index
        %swap3A_356 = tpu.vector_load %arg6[%swap3A_354, %swap3A_355] {strides = array<i32>} : memref<512x64xf32, #tpu.memory_space<vmem>>, vector<1x16xf32>,
        %swap3A_357 = vector.shape_cast %swap3A_356 : vector<1x16xf32> to vector<16xf32>
        %swap3A_358 = vector.shape_cast %mul3A_353 : vector<16xf32> to vector<1x16xf32>
        tpu.vector_store %arg6[%swap3A_354, %swap3A_355], %swap3A_358 {strides = array<i32>} : memref<512x64xf32, #tpu.memory_space<vmem>>, vector<1x16xf32>,
      }
      %scan3A_98 = arith.constant 128 : i32
      %mul3A_99 = arith.constant 25600 : i32
      %mul3A_100 = arith.muli %add3A, %mul3A_99 : i32
      %mul3A_101 = arith.constant 512 : i32
      %mul3A_102 = arith.muli %scan3A_6, %mul3A_101 : i32
      %add3A_103 = arith.addi %mul3A_100, %mul3A_102 : i32
      "tpu.region"() ({
        %run_scoped3A = tpu.sem_alloc : memref<!tpu.dma_semaphore, #tpu.memory_space<semaphore_mem>>
        %dma_start3A_104 = arith.constant 0 : i32
        %dma_start3A_105 = tpu.memref_slice %arg4[%add3A_103, %dma_start3A_104] : memref<819200x64xf32, #tpu.memory_space<hbm>> -> memref<512x64xf32, #tpu.memory_space<hbm>>
        %dma_start3A_106 = arith.constant 0 : i32
        %dma_start3A_107 = tpu.memref_slice %arg4[%add3A_103, %dma_start3A_106] : memref<819200x64xf32, #tpu.memory_space<hbm>> -> memref<512x64xf32, #tpu.memory_space<hbm>>
        tpu.enqueue_dma source(%arg6 : memref<512x64xf32, #tpu.memory_space<vmem>>) target(%dma_start3A_107 : memref<512x64xf32, #tpu.memory_space<hbm>>) target_semaphore(%run_scoped3A : memref<!tpu.dma_semaphore, #tpu.memory_space<semaphore_mem>>)
        %dma_wait3A_108 = arith.constant 0 : i32
        %dma_wait3A_109 = tpu.memref_slice %arg4[%add3A_103, %dma_wait3A_108] : memref<819200x64xf32, #tpu.memory_space<hbm>> -> memref<512x64xf32, #tpu.memory_space<hbm>>
        %dma_wait3A_110 = arith.constant 0 : i32
        %dma_wait3A_111 = tpu.memref_slice %arg4[%add3A_103, %dma_wait3A_110] : memref<819200x64xf32, #tpu.memory_space<hbm>> -> memref<512x64xf32, #tpu.memory_space<hbm>>
        tpu.wait_dma2 semaphore(%run_scoped3A : memref<!tpu.dma_semaphore, #tpu.memory_space<semaphore_mem>>) src(%arg6 : memref<512x64xf32, #tpu.memory_space<vmem>>) dst(%dma_wait3A_111 : memref<512x64xf32, #tpu.memory_space<hbm>>)
        tpu.yield
      }) : () -> ()
    }
    %scan3A_5 = arith.constant 50 : i32
    return
  }
}

</mosaic_0001>

<sc_bundles>
// kernel: _embed.3.cloned.1.call-start
scs
__scs_entry_jumppad:
0x0: {  	(pc) =	sbr.rel $0x88, $3  }
0x1: {  	(tag) =	ssettag $0x0;
	lr =	simm.s32 $0x1  }
0x2: {  	[smem:$0x3F9F] =	sst lr;
	_ =	strace $0xD0000000  }
0x3: {  	_ = 	snop  }
0x4: {  	_ = 	snop  }
0x5: {  	_ = 	snop  }
0x6: {  	_ = 	snop  }
0x7: {  	_ = 	snop  }
__scs_overlays_trampoline_lowered:
0x8: {  	[smem:$0x3FAE] =	sst s0  }
0x9: {  	[smem:$0x3FAF] =	sst s1  }
0xa: {  	[smem:$0x3FB0] =	sst s2  }
0xb: {  	[smem:$0x3FB1] =	sst s3  }
0xc: {  	[smem:$0x3FB2] =	sst s4  }
0xd: {  	[smem:$0x3FB3] =	sst s5  }
0xe: {  	[smem:$0x3FB4] =	sst s6  }
0xf: {  	[smem:$0x3FB5] =	sst s7  }
0x10: {  	[smem:$0x3FB6] =	sst s8  }
0x11: {  	[smem:$0x3FB7] =	sst s9;
	s0 =	simm.s32 @!p0 $0x0  }
0x12: {  	s1 =	sld [smem:$0x3F9D];
	s0 =	simm.s32 @p0 $0x1  }
0x13: {  	[smem:$0x3FB8] =	sst s0;
	s0 =	simm.s32 @!p1 $0x0  }
0x14: {  	s2 =	sld [smem:$0x3F9C];
	s0 =	simm.s32 @p1 $0x1  }
0x15: {  	[smem:$0x3FB9] =	sst s0;
	s0 =	simm.s32 @!p2 $0x0  }
0x16: {  	s3 =	sld [smem:$0x3FDB];
	s0 =	simm.s32 @p2 $0x1  }
0x17: {  	s4 =	simm.s32 $0x1BF5;
	[smem:$0x3FBB] =	sst s0  }
0x18: {  	s0 =	sld [smem:$0x3F9E];
	_ =	swait.ge [sflag:s4], $0x0  }
0x19: {  	s7 =	sld [smem:$0x3F9F]  }
0x1a: {  	s8 =	sadd.s32 $0xFFFFE003, lr  }
0x1b: {  	s9 =	sadd.s32 $0xFFFFFEF7, lr;
	s5 =	simm.s32 $0xFFFFFFFF;
	p2 =	slt.u32 s8, $0xFFFFF086  }
0x1c: {  	p1 =	slt.u32 s9, $0xF7A;
	s5 =	simm.s32 @!p2 $0x0  }
0x1d: {  	s5 =	simm.s32 @p1 $0x1;
	p0 =	seq.s32 s7, s2  }
0x1e: {  	s7 =	smul.u32 @!p0 $0xF7A, s2;
	p2 =	seq.s32 @!p0 s5, $0x0  }
0x1f: {  	s9 =	smul.u32 $0xF7A, s1;
	s8 =	simm.s32 @!p0 $0x1BF5;
	p2 =	por !p2, p0  }
0x20: {  	[sflag:s8] =	ssyncset.s32 @!p0 $0xFFFFF086;
	s6 =	sadd.s32 @!p0 s3, s7;
	s7 =	simm.s32 @!p0 $0x108  }
0x21: {  	s3 =	sadd.s32 s3, s9;
	s6 =	sadd.s32 @!p0 $0x88, s6;
	s7 =	simm.s32 @p2 $0x1082  }
0x22: {  	[simem:s7], [sflag:s8] =	dma.local @!p0 [hbm:s6], $0xF7A  }
0x23: {  	s9 =	sor.u32 $0xD0000000, s2;
	s6 =	simm.s32 $0x108;
	_ =	swait.ge @!p0 [sflag:s8], $0x0  }
0x24: {  	s3 =	sadd.s32 $0x88, s3;
	s6 =	simm.s32 @!p1 $0x1082;
	[sflag:s4] =	ssyncset.s32 $0xFFFFF086  }
0x25: {  	[simem:s6], [sflag:s4] =	dma.local [hbm:s3], $0xF7A  }
0x26: {  	[smem:$0x3F9F] =	sst s1;
	(tag) =	ssettag s2;
	_ =	strace s9  }
0x27: {  	s1 =	sld [smem:$0x3FAF]  }
0x28: {  	s2 =	sld [smem:$0x3FB0]  }
0x29: {  	s4 =	sld [smem:$0x3FB2]  }
0x2a: {  	p0 =	seq.s32 s5, $0x0;
	s5 =	sld [smem:$0x3FB3]  }
0x2b: {  	s6 =	sld [smem:$0x3FB4]  }
0x2c: {  	s7 =	sld [smem:$0x3FB5]  }
0x2d: {  	s3 =	simm.s32 $0x108;
	s8 =	sld [smem:$0x3FB6]  }
0x2e: {  	s3 =	simm.s32 @!p0 $0x1082;
	s9 =	sld [smem:$0x3FB7]  }
0x2f: {  	lr =	sadd.s32 s0, s3;
	s0 =	sld [smem:$0x3FAE]  }
0x30: {  	s3 =	sld [smem:$0x3FB1]  }
0x31: {  	[smem:$0x3FBA] =	sst s10  }
0x32: {  	s10 =	sld [smem:$0x3FB8];
	_ =	sdelay $0x3  }
0x33: {  	p0 =	seq.s32 s10, $0x1;
	s10 =	sld [smem:$0x3FBA];
	_ =	sdelay $0x3  }
0x34: {  	[smem:$0x3FBA] =	sst s10  }
0x35: {  	s10 =	sld [smem:$0x3FB9];
	_ =	sdelay $0x3  }
0x36: {  	p1 =	seq.s32 s10, $0x1;
	s10 =	sld [smem:$0x3FBA];
	_ =	sdelay $0x3  }
0x37: {  	[smem:$0x3FBA] =	sst s10  }
0x38: {  	s10 =	sld [smem:$0x3FBB]  }
0x39: {  	_ = 	snop;
	(pc) =	sbr.ind lr, $3  }
0x3a: {  	_ = 	snop  }
0x3b: {  	_ = 	snop  }
0x3c: {  	p2 =	seq.s32 s10, $0x1;
	s10 =	sld [smem:$0x3FBA]  }
0x3d: {  	_ =	shalt  }
0x3e: {  	_ =	shalt  }
0x3f: {  	_ =	shalt  }
0x40: {  	_ =	shalt  }
0x41: {  	_ =	shalt  }
0x42: {  	_ =	shalt  }
0x43: {  	_ =	shalt  }
0x44: {  	_ =	shalt  }
0x45: {  	_ =	shalt  }
0x46: {  	_ =	shalt  }
0x47: {  	_ =	shalt  }
0x48: {  	_ =	shalt  }
0x49: {  	_ =	shalt  }
0x4a: {  	_ =	shalt  }
0x4b: {  	_ =	shalt  }
0x4c: {  	_ =	shalt  }
0x4d: {  	_ =	shalt  }
0x4e: {  	_ =	shalt  }
0x4f: {  	_ =	shalt  }
0x50: {  	_ =	shalt  }
0x51: {  	_ =	shalt  }
0x52: {  	_ =	shalt  }
0x53: {  	_ =	shalt  }
0x54: {  	_ =	shalt  }
0x55: {  	_ =	shalt  }
0x56: {  	_ =	shalt  }
0x57: {  	_ =	shalt  }
0x58: {  	_ =	shalt  }
0x59: {  	_ =	shalt  }
0x5a: {  	_ =	shalt  }
0x5b: {  	_ =	shalt  }
0x5c: {  	_ =	shalt  }
0x5d: {  	_ =	shalt  }
0x5e: {  	_ =	shalt  }
0x5f: {  	_ =	shalt  }
0x60: {  	_ =	shalt  }
0x61: {  	_ =	shalt  }
0x62: {  	_ =	shalt  }
0x63: {  	_ =	shalt  }
0x64: {  	_ =	shalt  }
0x65: {  	_ =	shalt  }
0x66: {  	_ =	shalt  }
0x67: {  	_ =	shalt  }
0x68: {  	_ =	shalt  }
0x69: {  	_ =	shalt  }
0x6a: {  	_ =	shalt  }
0x6b: {  	_ =	shalt  }
0x6c: {  	_ =	shalt  }
0x6d: {  	_ =	shalt  }
0x6e: {  	_ =	shalt  }
0x6f: {  	_ =	shalt  }
0x70: {  	_ =	shalt  }
0x71: {  	_ =	shalt  }
0x72: {  	_ =	shalt  }
0x73: {  	_ =	shalt  }
0x74: {  	_ =	shalt  }
0x75: {  	_ =	shalt  }
0x76: {  	_ =	shalt  }
0x77: {  	_ =	shalt  }
0x78: {  	_ =	shalt  }
0x79: {  	_ =	shalt  }
0x7a: {  	_ =	shalt  }
0x7b: {  	_ =	shalt  }
0x7c: {  	_ =	shalt  }
0x7d: {  	_ =	shalt  }
0x7e: {  	_ =	shalt  }
0x7f: {  	_ =	shalt  }
0x80: {  	_ =	shalt  }
0x81: {  	_ =	shalt  }
0x82: {  	_ =	shalt  }
0x83: {  	_ =	shalt  }
0x84: {  	_ =	shalt  }
0x85: {  	_ =	shalt  }
0x86: {  	_ =	shalt  }
0x87: {  	_ =	shalt  }
.Lfunc_end0:
.L_simem_size_0:
called_computation.1_lowered:
.L_overlay_start_0:
0x88: {  	s2 =	sld [smem:$0x3FD9]  }
0x89: {  	s3 =	sld [smem:$0x3FFE];
	_ =	sdelay $0x1  }
0x8a: {  	s1 =	srdreg.scid  }
0x8b: {  	s0 =	sand.u32 $0x1, s1  }
0x8c: {  	s17 =	sshll.u32 s0, $0xA;
	s2 =	sadd.s32 s3, s2  }
0x8d: {  	s2 =	sadd.s32 s2, s17  }
0x8e: {  	[smem:$0x3FC6] =	sst s2  }
0x8f: {  	_ = 	snop  }
0x90: {  	s2 =	sld [smem:$0x3FC9]  }
0x91: {  	s18 =	sld [smem:$0x3FD0];
	(tm) =	ssettm $0x1  }
0x92: {  	s4 =	sld [smem:$0x3FFB];
	_ =	sdelay $0x3  }
0x93: {  	_ =	strace s4  }
0x94: {  	s4 =	sld [smem:$0x3FFC];
	_ =	sdelay $0x3  }
0x95: {  	_ =	strace s4  }
0x96: {  	s4 =	sld [smem:$0x3FFD];
	_ =	sdelay $0x3  }
0x97: {  	_ =	strace s4  }
0x98: {  	_ =	strace $0x8FFFFFFF  }
0x99: {  	s19 =	sld [smem:$0x3FDB];
	_ =	sdelay $0x1  }
0x9a: {  	s5 =	simm.s32 $_scs_section_size  }
0x9b: {  	s6 =	simm.s32 $_size__tile_overlayer_lowered;
	s7 =	simm.s32 $_tile_overlayer_lowered  }
0x9c: {  	s22 =	simm.s32 $0x1BFF;
	s21 =	sshll.u32 s7, $0x1;
	s4 =	sadd.s32 s5, s19  }
0x9d: {  	s8 =	simm.s32 $0x0;
	s20 =	sshll.u32 s6, $0x1;
	s6 =	sadd.s32 s21, s4  }
0x9e: {  	[timem:s8], [sflag:s22] =	dma.local [hbm:s6], s20  }
0x9f: {  	_ =	swait.ge [sflag:s22], s20  }
0xa0: {  	s5 =	ssub.s32 $0x0, s20;
	[sflag:s22] =	ssyncset.done $0x0  }
0xa1: {  	[sflag:s22] =	ssyncadd.s32 s5;
	_ =	sdelay $0x1  }
0xa2: {  	s23 =	simm.s32 $0x1B8B  }
0xa3: {  	_ =	swait.ge [sflag:s23], $0x1  }
0xa4: {  	[sflag:s23] =	ssyncset.done $0x0  }
0xa5: {  	s25 =	simm.s32 $0x1B8E;
	s24 =	sld [smem:$0x3FFE];
	[sflag:s23] =	ssyncadd.s32 $0xFFFFFFFF  }
0xa6: {  	s26 =	simm.s32 $execute0_lowered;
	[smem:$0x3FD2] =	sst s25  }
0xa7: {  	s6 =	sshll.u32 s26, $0x1;
	_ =	strace $0x80000046;
	[dreg:$0x1] =	wrdreg $0xFFFFFFFF  }
0xa8: {  	s28 =	simm.s32 $_size_execute0_lowered;
	s4 =	sadd.s32 s4, s6;
	[dreg:$0x0] =	wrdreg $0x0  }
0xa9: {  	s6 =	sshll.u32 s28, $0x1;
	[dreg:$0x2] =	wrdreg s4  }
0xaa: {  	[dreg:$0x3] =	wrdreg s6  }
0xab: {  	[dreg:$0x4] =	wrdreg $0xC0  }
0xac: {  	_ =	task [dreg:s8], $0x5FFFF  }
0xad: {  	[dreg:$0x1] =	wrdreg $0xFFFFFFFF  }
0xae: {  	[dreg:$0x0] =	wrdreg $0x60  }
0xaf: {  	[dreg:$0x2] =	wrdreg s2  }
0xb0: {  	[dreg:$0x3] =	wrdreg s24  }
0xb1: {  	[dreg:$0x4] =	wrdreg s18  }
0xb2: {  	[dreg:$0x5] =	wrdreg $0x9  }
0xb3: {  	_ =	task.clear_ibuf [dreg:s8], $0x6FFFF;
	_ =	strace $0x90000046  }
0xb4: {  	s29 =	simm.s32 $0x9;
	_ =	strace $0x80000048  }
0xb5: {  	_ =	swait.ge [sflag:s29], $0x1  }
0xb6: {  	[sflag:s29] =	ssyncadd.s32 $0xFFFFFFFF  }
0xb7: {  	_ =	strace $0x90000048  }
0xb8: {  	_ =	sfence  }
0xb9: {  	s30 =	sld [smem:$0x0];
	_ =	sdelay $0x2  }
0xba: {  	s31 =	sshll.u32 s1, $0xD;
	s1 =	sshrl.u32 s1, $0x2  }
0xbb: {  	s3 =	sand.u32 $0x4000, s31;
	s1 =	sadd.s32 s1, s30  }
0xbc: {  	s0 =	sor.u32 s3, s0;
	s1 =	sshll.u32 s1, $0x11  }
0xbd: {  	s0 =	sor.u32 s1, s0  }
0xbe: {  	s0 =	sadd.s32 $0x8F2B, s0  }
0xbf: {  	[sflag:s0] =	ssyncadd.remote.s32 $0x1  }
0xc0: {  	_ =	sfence.sel $0xFFFF  }
0xc1: {  	[dreg:$0x0] =	wrdreg $0xFFFFFFFF;
	(pc) =	sbr.abs _section_cstart, $3  }
0xc2: {  	[dreg:$0x1] =	wrdreg $0xFFFFFFFF  }
0xc3: {  	_ =	task.clear_ibuf [dreg:s8], $0x2FFFF;
	_ =	strace $0x9FFFFFFF  }
0xc4: {  	(tm) =	ssettm $0x7FFFFFFF  }
0xc5: {  	_ =	shalt  }
tec
execute0_lowered:
.L_overlay_start_1:
0x0: {  	(tag) =	ssettag $0x1  }
0x1: {  	s5 =	rddreg [dreg:$0x0]  }
0x2: {  	s4 =	rddreg [dreg:$0x1]  }
0x3: {  	s1 =	srdreg.scid;
	s0 =	stileid.u32  }
0x4: {  	s2 =	rddreg [dreg:$0x2];
	s3 =	simm.s32 $0x0;
	s10 =	simm.s32 $0x6400  }
0x5: {  	s11 =	simm.s32 $0x8400;
	s12 =	simm.s32 $0xA400;
	s13 =	simm.s32 $0xC400  }
0x6: {  	s14 =	simm.s32 $0x1;
	s6 =	sand.u32 $0x1, s1;
	s7 =	sshll.u32 s0, $0x1  }
0x7: {  	s15 =	simm.s32 $0x0;
	s1 =	rddreg [dreg:$0x3];
	s7 =	sor.u32 s6, s7  }
0x8: {  	[smem:$0x7FF] =	sst s3;
	s6 =	ssub.s32 $0x2, s6;
	s8 =	smul.u32 $0xC80, s7  }
0x9: {  	s4 =	sadd.s32 $0xF42C00, s4;
	_ =	strace $0x80000047;
	s9 =	sshrl.u32 s6, $0x1  }
0xa: {  	s9 =	ssub.s32 s6, s9;
	s6 =	smul.u32 $0x190000, s7;
	s5 =	sadd.s32 s5, s8  }
0xb: {  	s7 =	smax.u32 s9, $0x1;
	s8 =	simm.s32 $0x2;
	s9 =	simm.s32 $0x80  }
.LBB2_1:
0xc: {  	[tilespmem:s3], [sflag:$0x2] =	stream.linear.gather [hbm4b:s5+s3], $0x6400, $0x38;
	[tilespmem:$0xE400] =	vst v63  }
0xd: {  	_ =	swait.ge [sflag:s8], $0x6400  }
0xe: {  	[sflag:s8] =	ssyncset.done $0x0  }
0xf: {  	s16 =	simm.s32 $0x0;
	[sflag:s8] =	ssyncadd.s32 $0xFFFF9C00  }
.LBB2_2:
0x10: {  	s17 =	sshll.u32 s16, $0x9  }
0x11: {  	s17 =	sand.u32 $0x3FFFFE00, s17  }
0x12: {  	[tilespmem:s10], [sflag:$0x1] =	stream.indirect.gather [hbm4b:s4+s9], $0x40, s17, s9, $0xb8;
	[tilespmem:$0xE400] =	vst v63  }
0x13: {  	s18 =	sor.u32 $0x80, s17  }
0x14: {  	[tilespmem:s11], [sflag:$0x1] =	stream.indirect.gather [hbm4b:s4+s9], $0x40, s18, s9, $0xb8;
	[tilespmem:$0xE400] =	vst v63  }
0x15: {  	s31 =	sor.u32 $0x100, s17  }
0x16: {  	[tilespmem:s12], [sflag:$0x1] =	stream.indirect.gather [hbm4b:s4+s9], $0x40, s31, s9, $0xb8;
	[tilespmem:$0xE400] =	vst v63  }
0x17: {  	s17 =	sor.u32 $0x180, s17  }
0x18: {  	[tilespmem:s13], [sflag:$0x1] =	stream.indirect.gather [hbm4b:s4+s9], $0x40, s17, s9, $0xb8;
	[tilespmem:$0xE400] =	vst v63  }
0x19: {  	_ =	swait.ge [sflag:s14], $0x2000  }
0x1a: {  	[sflag:s14] =	ssyncset.done $0x0  }
0x1b: {  	[sflag:s14] =	ssyncadd.s32 $0xFFFFE000  }
0x1c: {  	_ =	swait.ge [sflag:s14], $0x2000  }
0x1d: {  	[sflag:s14] =	ssyncset.done $0x0  }
0x1e: {  	[sflag:s14] =	ssyncadd.s32 $0xFFFFE000  }
0x1f: {  	_ =	swait.ge [sflag:s14], $0x2000  }
0x20: {  	[sflag:s14] =	ssyncset.done $0x0  }
0x21: {  	[sflag:s14] =	ssyncadd.s32 $0xFFFFE000  }
0x22: {  	_ =	swait.ge [sflag:s14], $0x2000  }
0x23: {  	[sflag:s14] =	ssyncset.done $0x0  }
0x24: {  	s17 =	simm.s32 $0x0;
	[sflag:s14] =	ssyncadd.s32 $0xFFFFE000  }
0x25: {  	v0 =	vld [tilespmem:s17+$0x6400]  }
0x26: {  	v1 =	vld [tilespmem:s17+$0x6410]  }
0x27: {  	v2 =	vld [tilespmem:s17+$0x6420]  }
0x28: {  	v3 =	vld [tilespmem:s17+$0x6430]  }
0x29: {  	v4 =	vld [tilespmem:s17+$0x6440]  }
0x2a: {  	v5 =	vld [tilespmem:s17+$0x6450];
	v0 =	vmul.f32 $8.000000000e+00, v0  }
0x2b: {  	v6 =	vld [tilespmem:s17+$0x6460];
	v1 =	vmul.f32 $8.000000000e+00, v1  }
0x2c: {  	v7 =	vld [tilespmem:s17+$0x6470];
	[tilespmem:s17+$0x6400] =	vst v0;
	v0 =	vmul.f32 $8.000000000e+00, v2  }
0x2d: {  	v8 =	vld [tilespmem:s17+$0x6480];
	[tilespmem:s17+$0x6410] =	vst v1;
	v1 =	vmul.f32 $8.000000000e+00, v3  }
0x2e: {  	v9 =	vld [tilespmem:s17+$0x6490];
	[tilespmem:s17+$0x6420] =	vst v0;
	v0 =	vmul.f32 $8.000000000e+00, v4  }
0x2f: {  	v2 =	vmul.f32 $8.000000000e+00, v5;
	[tilespmem:s17+$0x6430] =	vst v1;
	v1 =	vld [tilespmem:s17+$0x64A0]  }
0x30: {  	v3 =	vmul.f32 $8.000000000e+00, v6;
	[tilespmem:s17+$0x6440] =	vst v0;
	v0 =	vld [tilespmem:s17+$0x64B0]  }
0x31: {  	[tilespmem:s17+$0x6450] =	vst v2;
	v2 =	vld [tilespmem:s17+$0x64C0];
	v4 =	vmul.f32 $8.000000000e+00, v7  }
0x32: {  	v6 =	vmul.f32 $8.000000000e+00, v8;
	[tilespmem:s17+$0x6460] =	vst v3;
	v3 =	vld [tilespmem:s17+$0x64D0]  }
0x33: {  	s18 =	simm.s32 $0x400;
	v5 =	vmul.f32 $8.000000000e+00, v9;
	[tilespmem:s17+$0x6470] =	vst v4;
	v4 =	vld [tilespmem:s17+$0x64E0]  }
.LBB2_3:
0x34: {  	s19 =	sshra.s32 s18, $0x2;
	p0 =	sne.s32 s18, $0x1FC00;
	[tilespmem:s17+$0x6480] =	vst v6;
	v1 =	vmul.f32 $8.000000000e+00, v1;
	v6 =	vld [tilespmem:s17+$0x64F0]  }
0x35: {  	v7 =	vld [tilespmem:s19+$0x6400];
	[tilespmem:s17+$0x6490] =	vst v5;
	v0 =	vmul.f32 $8.000000000e+00, v0  }
0x36: {  	v5 =	vld [tilespmem:s19+$0x6410];
	[tilespmem:s17+$0x64A0] =	vst v1;
	v1 =	vmul.f32 $8.000000000e+00, v2  }
0x37: {  	v2 =	vld [tilespmem:s19+$0x6420];
	[tilespmem:s17+$0x64B0] =	vst v0;
	v0 =	vmul.f32 $8.000000000e+00, v3  }
0x38: {  	v3 =	vld [tilespmem:s19+$0x6430];
	[tilespmem:s17+$0x64C0] =	vst v1;
	v1 =	vmul.f32 $8.000000000e+00, v4  }
0x39: {  	v4 =	vld [tilespmem:s19+$0x6440];
	[tilespmem:s17+$0x64D0] =	vst v0;
	v0 =	vmul.f32 $8.000000000e+00, v6  }
0x3a: {  	v6 =	vmul.f32 $8.000000000e+00, v7;
	v7 =	vld [tilespmem:s19+$0x6450];
	[tilespmem:s17+$0x64E0] =	vst v1  }
0x3b: {  	v1 =	vmul.f32 $8.000000000e+00, v5;
	v5 =	vld [tilespmem:s19+$0x6460];
	[tilespmem:s17+$0x64F0] =	vst v0;
	s17 =	smov.u32 s19  }
0x3c: {  	[tilespmem:s17+$0x6400] =	vst v6;
	v0 =	vmul.f32 $8.000000000e+00, v2;
	v2 =	vld [tilespmem:s17+$0x6470]  }
0x3d: {  	[tilespmem:s17+$0x6410] =	vst v1;
	v1 =	vmul.f32 $8.000000000e+00, v3;
	v3 =	vld [tilespmem:s17+$0x6480]  }
0x3e: {  	[tilespmem:s17+$0x6420] =	vst v0;
	v0 =	vmul.f32 $8.000000000e+00, v4;
	v4 =	vld [tilespmem:s17+$0x6490]  }
.Ltmp0:
0x3f: {  	[tilespmem:s17+$0x6430] =	vst v1;
	v6 =	vmul.f32 $8.000000000e+00, v7;
	v1 =	vld [tilespmem:s17+$0x64A0];
	(pc) =	sbr.rel @p0 .LBB2_3-.Ltmp0, $4  }
0x40: {  	[tilespmem:s17+$0x6440] =	vst v0;
	v5 =	vmul.f32 $8.000000000e+00, v5;
	v0 =	vld [tilespmem:s17+$0x64B0]  }
0x41: {  	[tilespmem:s17+$0x6450] =	vst v6;
	v7 =	vmul.f32 $8.000000000e+00, v2;
	v2 =	vld [tilespmem:s17+$0x64C0]  }
0x42: {  	[tilespmem:s17+$0x6460] =	vst v5;
	v6 =	vmul.f32 $8.000000000e+00, v3;
	v3 =	vld [tilespmem:s17+$0x64D0]  }
0x43: {  	s18 =	sadd.s32 $0x400, s18;
	[tilespmem:s17+$0x6470] =	vst v7;
	v5 =	vmul.f32 $8.000000000e+00, v4;
	v4 =	vld [tilespmem:s17+$0x64E0]  }
0x44: {  	[tilespmem:s17+$0x6480] =	vst v6;
	v1 =	vmul.f32 $8.000000000e+00, v1;
	v59 =	vld [tilespmem:s17+$0x64F0]  }
0x45: {  	[tilespmem:s17+$0x6490] =	vst v5;
	v0 =	vmul.f32 $8.000000000e+00, v0  }
0x46: {  	[tilespmem:s17+$0x64A0] =	vst v1;
	v60 =	vmul.f32 $8.000000000e+00, v2  }
0x47: {  	[tilespmem:s17+$0x64B0] =	vst v0;
	v61 =	vmul.f32 $8.000000000e+00, v3  }
0x48: {  	s18 =	sshll.u32 s16, $0xF;
	[tilespmem:s17+$0x64C0] =	vst v60;
	v62 =	vmul.f32 $8.000000000e+00, v4  }
0x49: {  	s16 =	sadd.s32 $0x1, s16;
	s18 =	sadd.s32 s6, s18;
	[tilespmem:s17+$0x64D0] =	vst v61;
	v63 =	vmul.f32 $8.000000000e+00, v59  }
0x4a: {  	p0 =	sne.s32 s16, $0x32;
	s18 =	sshrl.u32 s18, $0x3;
	[tilespmem:s17+$0x64E0] =	vst v62  }
.Ltmp1:
0x4b: {  	s31 =	sadd.s32 s2, s18;
	[tilespmem:s17+$0x64F0] =	vst v63;
	(pc) =	sbr.rel @p0 .LBB2_2-.Ltmp1, $4  }
0x4c: {  	[hbm4b:s31+s3] =	stream.linear.scatter [tilespmem:s10], [sflag:$0x2], $0x8000, $0x38;
	[tilespmem:$0xE400] =	vst v63  }
0x4d: {  	_ =	swait.ge [sflag:s8], $0x8000  }
0x4e: {  	[sflag:s8] =	ssyncset.done $0x0  }
0x4f: {  	[sflag:s8] =	ssyncadd.s32 $0xFFFF8000  }
0x50: {  	s15 =	sadd.s32 $0x1, s15  }
0x51: {  	p0 =	sne.s32 s15, s7  }
.Ltmp2:
0x52: {  	_ = 	snop;
	(pc) =	sbr.rel @p0 .LBB2_1-.Ltmp2, $1  }
0x53: {  	_ =	sdelay $0x3  }
0x54: {  	_ =	sfence.sel $0x180000  }
0x55: {  	[bflag:$0x0] =	sbarrier.arrive $0xFFFF  }
0x56: {  	p0 =	sne.s32 s0, $0x0;
	_ =	strace $0x90000047  }
0x57: {  	s0 =	sadd.s32 @!p0 $0x100000, s1;
	[bflag:$0x2] =	sbarrier.arrive $0xFFFF  }
0x58: {  	[sflag:s0] =	ssyncadd.tile.s32 @!p0 $0x1;
	_ =	shalt  }
.Lfunc_end2:
_tile_overlayer_lowered:
.L_overlay_start_2:
0x59: {  	(tag) =	ssettag $0x2  }
0x5a: {  	s0 =	rddreg [dreg:$0x0];
	s2 =	stileid.u32  }
0x5b: {  	s1 =	rddreg [dreg:$0x1];
	p0 =	sne.s32 s2, $0x0  }
0x5c: {  	s3 =	rddreg [dreg:$0x2];
	[bflag:$0x3] =	sbarrier.arrive $0xFFFF;
	s2 =	simm.s32 @!p0 $0x1C02  }
0x5d: {  	[timem:s3], [sflag:s2] =	dma.local @!p0 [hbm:s0], s1  }
0x5e: {  	s0 =	simm.s32 @!p0 $0x2  }
0x5f: {  	_ =	swait.ge @!p0 [sflag:s0], s1  }
0x60: {  	s1 =	ssub.s32 @!p0 $0x0, s1;
	[sflag:s0] =	ssyncset.done @!p0 $0x0  }
0x61: {  	[sflag:s0] =	ssyncadd.s32 @!p0 s1  }
0x62: {  	[bflag:$0x3] =	sbarrier.arrive $0xFFFF  }
0x63: {  	_ =	shalt  }

// kernel: sparse-core-data-format-call.cloned.1.call-start
scs
called_computation_lowered:
.L_overlay_start_0:
0x0: {  	s2 =	sld [smem:$0x3FD9]  }
0x1: {  	s3 =	sld [smem:$0x3FFE];
	_ =	sdelay $0x1  }
0x2: {  	s1 =	srdreg.scid  }
0x3: {  	s0 =	sand.u32 $0x1, s1  }
0x4: {  	s18 =	sshll.u32 s0, $0xA;
	s2 =	sadd.s32 s3, s2  }
0x5: {  	s2 =	sadd.s32 s2, s18  }
0x6: {  	[smem:$0x3FC6] =	sst s2  }
0x7: {  	_ = 	snop  }
0x8: {  	s2 =	sld [smem:$0x3FD0];
	(tm) =	ssettm $0x1  }
0x9: {  	s19 =	sld [smem:$0x3FFB];
	_ =	sdelay $0x3  }
0xa: {  	_ =	strace s19  }
0xb: {  	s3 =	sld [smem:$0x3FFC];
	_ =	sdelay $0x3  }
0xc: {  	_ =	strace s3  }
0xd: {  	s3 =	sld [smem:$0x3FFD];
	_ =	sdelay $0x3  }
0xe: {  	_ =	strace s3  }
0xf: {  	_ =	strace $0x8FFFFFFF  }
0x10: {  	s20 =	sld [smem:$0x3FDB];
	_ =	sdelay $0x1  }
0x11: {  	s4 =	simm.s32 $_scs_section_size  }
0x12: {  	s5 =	simm.s32 $_size__tile_overlayer_lowered;
	s6 =	simm.s32 $_tile_overlayer_lowered  }
0x13: {  	s23 =	simm.s32 $0x1BFF;
	s22 =	sshll.u32 s6, $0x1;
	s3 =	sadd.s32 s4, s20  }
0x14: {  	s7 =	simm.s32 $0x0;
	s21 =	sshll.u32 s5, $0x1;
	s5 =	sadd.s32 s22, s3  }
0x15: {  	[timem:s7], [sflag:s23] =	dma.local [hbm:s5], s21  }
0x16: {  	_ =	swait.ge [sflag:s23], s21  }
0x17: {  	s4 =	ssub.s32 $0x0, s21;
	[sflag:s23] =	ssyncset.done $0x0  }
0x18: {  	[sflag:s23] =	ssyncadd.s32 s4;
	_ =	sdelay $0x1  }
0x19: {  	s24 =	simm.s32 $0x1B8B  }
0x1a: {  	_ =	swait.ge [sflag:s24], $0x1  }
0x1b: {  	[sflag:s24] =	ssyncset.done $0x0  }
0x1c: {  	s26 =	simm.s32 $0x1B8E;
	s25 =	sld [smem:$0x3FFE];
	[sflag:s24] =	ssyncadd.s32 $0xFFFFFFFF  }
0x1d: {  	s27 =	simm.s32 $execute0_lowered;
	[smem:$0x3FD2] =	sst s26  }
0x1e: {  	s5 =	sshll.u32 s27, $0x1;
	_ =	strace $0x80000049;
	[dreg:$0x1] =	wrdreg $0xFFFFFFFF  }
0x1f: {  	s28 =	simm.s32 $_size_execute0_lowered;
	s3 =	sadd.s32 s3, s5;
	[dreg:$0x0] =	wrdreg $0x0  }
0x20: {  	s5 =	sshll.u32 s28, $0x1;
	[dreg:$0x2] =	wrdreg s3  }
0x21: {  	[dreg:$0x3] =	wrdreg s5  }
0x22: {  	[dreg:$0x4] =	wrdreg $0xC0  }
0x23: {  	_ =	task [dreg:s7], $0x5FFFF  }
0x24: {  	[dreg:$0x1] =	wrdreg $0xFFFFFFFF  }
0x25: {  	[dreg:$0x0] =	wrdreg $0x60  }
0x26: {  	[dreg:$0x2] =	wrdreg s25  }
0x27: {  	[dreg:$0x3] =	wrdreg s2  }
0x28: {  	[dreg:$0x4] =	wrdreg $0x9  }
0x29: {  	_ =	task.clear_ibuf [dreg:s7], $0x5FFFF;
	_ =	strace $0x90000049  }
0x2a: {  	s29 =	simm.s32 $0x9;
	_ =	strace $0x8000004B  }
0x2b: {  	_ =	swait.ge [sflag:s29], $0x1  }
0x2c: {  	[sflag:s29] =	ssyncadd.s32 $0xFFFFFFFF  }
0x2d: {  	_ =	strace $0x9000004B  }
0x2e: {  	_ =	sfence  }
0x2f: {  	s30 =	sld [smem:$0x0];
	_ =	sdelay $0x2  }
0x30: {  	s31 =	sshll.u32 s1, $0xD;
	s1 =	sshrl.u32 s1, $0x2  }
0x31: {  	s3 =	sand.u32 $0x4000, s31;
	s1 =	sadd.s32 s1, s30  }
0x32: {  	s0 =	sor.u32 s3, s0;
	s1 =	sshll.u32 s1, $0x11  }
0x33: {  	s0 =	sor.u32 s1, s0  }
0x34: {  	s0 =	sadd.s32 $0x8F2B, s0  }
0x35: {  	[sflag:s0] =	ssyncadd.remote.s32 $0x1  }
0x36: {  	_ =	sfence.sel $0xFFFF  }
0x37: {  	[dreg:$0x0] =	wrdreg $0xFFFFFFFF;
	(pc) =	sbr.abs _section_cstart, $3  }
0x38: {  	[dreg:$0x1] =	wrdreg $0xFFFFFFFF  }
0x39: {  	_ =	task.clear_ibuf [dreg:s7], $0x2FFFF;
	_ =	strace $0x9FFFFFFF  }
0x3a: {  	(tm) =	ssettm $0x7FFFFFFF  }
0x3b: {  	_ =	shalt  }
tec
execute0_lowered:
.L_overlay_start_1:
0x0: {  	(tag) =	ssettag $0x1  }
0x1: {  	s0 =	srdreg.scid  }
0x2: {  	s1 =	sshll.u32 s0, $0x4  }
0x3: {  	s4 =	rddreg [dreg:$0x0];
	s0 =	stileid.u32;
	s1 =	sand.u32 $0x10, s1  }
0x4: {  	s2 =	rddreg [dreg:$0x1];
	s7 =	simm.s32 $0x1;
	s1 =	sor.u32 s0, s1  }
0x5: {  	s8 =	simm.s32 $0x2;
	s11 =	simm.s32 $0x0;
	s3 =	sshll.u32 s1, $0x7  }
0x6: {  	s10 =	simm.s32 $0x0;
	s4 =	sadd.s32 $0x800, s4;
	s6 =	ssub.s32 $0xC8000, s3  }
.Ltmp0:
0x7: {  	s1 =	rddreg [dreg:$0x2];
	s5 =	sand.u32 $0xF80, s6;
	(pc) =	sbr.rel .LBB1_1-.Ltmp0, $4  }
0x8: {  	_ =	strace $0x8000004A;
	s9 =	smov.u32 s3;
	p0 =	sne.s32 s5, $0x0  }
0x9: {  	s6 =	sshrl.u32 s6, $0xC;
	s5 =	simm.s32 $0x1;
	s7 =	simm.s32 @!p0 $0x0  }
0xa: {  	[sflag:s5] =	ssyncpa.u1 $0x0;
	p0 =	por $0x0, $0x0;
	s6 =	sadd.s32 s7, s6  }
0xb: {  	[sflag:s8] =	ssyncpa.u1 $0x0;
	s8 =	simm.s32 $0x640000;
	s7 =	sadd.s32 $0x1, s6  }
.LBB1_4:
0xc: {  	s14 =	sshll.u32 s11, $0x3  }
0xd: {  	s30 =	sand.u32 $0x7F, s11;
	s15 =	sand.u32 $0xFFFFFC00, s14  }
0xe: {  	s11 =	sor.u32 s30, s15  }
0xf: {  	s15 =	smulhi.u32 $0x51EB851F, s11  }
0x10: {  	s14 =	smulhi.u32 $0x51EB851F, s14  }
0x11: {  	s15 =	sshrl.u32 s15, $0x12  }
0x12: {  	s14 =	sshrl.u32 s14, $0x12;
	s15 =	smul.u32 $0xC8000, s15  }
0x13: {  	s14 =	sand.u32 $0x3F, s14  }
0x14: {  	s14 =	smul.u32 $0x19000, s14;
	s11 =	ssub.s32 s11, s15  }
0x15: {  	[tilespmem:s13+$0x810 ss:$0x81] =	vst.msk $0xffff, v2;
	s15 =	sand.u32 $0x7, s11  }
0x16: {  	[tilespmem:s13+$0x1020 ss:$0x81] =	vst.msk $0xffff, v0;
	s14 =	sadd.s32 s2, s14;
	s11 =	sshrl.u32 s11, $0x3;
	s15 =	sshll.u32 s15, $0x12  }
0x17: {  	[tilespmem:s13+$0x0 ss:$0x81] =	vst.msk $0xffff, v1;
	s11 =	sadd.s32 s11, s14;
	s31 =	sor.u32 $0x400, s15  }
0x18: {  	[hbm4b:s11+s31] =	stream.strided.scatter [tilespmem:s12], [sflag:$0x2], $0x2000, s8, s31, $0x20;
	[tilespmem:$0x8080] =	vst v63  }
.LBB1_5:
0x19: {  	s13 =	sadd.s32 $0x1000, s9  }
0x1a: {  	p2 =	sgt.s32 s13, $0xC7FFF  }
0x1b: {  	s13 =	smov.u32 @p2 s3;
	p2 =	sne.s32 s10, s7  }
.Ltmp1:
0x1c: {  	p1 =	slt.u32 s10, $0x2;
	(pc) =	sbr.rel @!p2 .LBB1_6-.Ltmp1, $4  }
0x1d: {  	s12 =	simm.s32 @!p1 $0x2  }
0x1e: {  	s14 =	sadd.s32 $0x1, s10;
	_ =	swait.ge @!p1 [sflag:s12], $0x2000  }
0x1f: {  	s11 =	smov.u32 s9;
	p0 =	por !p0, !p0;
	[sflag:s12] =	ssyncset.done @!p1 $0x0  }
0x20: {  	s10 =	smov.u32 s14;
	s9 =	smov.u32 s13;
	[sflag:s12] =	ssyncadd.s32 @!p1 $0xFFFFE000  }
.LBB1_1:
0x21: {  	p1 =	sge.u32 s10, s6  }
0x22: {  	s12 =	sand.u32 @!p1 $0x1FFFFFF, s9  }
0x23: {  	s13 =	smulhi.u32 @!p1 $0x147AE15, s12;
	_ =	sdelay $0x1  }
0x24: {  	s13 =	sshrl.u32 @!p1 s13, $0xC  }
0x25: {  	s13 =	smul.u32 @!p1 $0xC8000, s13;
	_ =	sdelay $0x1  }
0x26: {  	s31 =	sadd.s32 $0xFFFFFFFF, s10;
	s14 =	sxor.u32 @!p1 $0xFFFFFFFF, s10;
	s12 =	ssub.s32 @!p1 s12, s13  }
0x27: {  	s15 =	simm.s32 @!p1 $0x80;
	s14 =	sshll.u32 @!p1 s14, $0xD;
	s12 =	sshll.u32 @!p1 s12, $0x4  }
0x28: {  	s13 =	sand.u32 @!p1 $0x2000, s14;
	s14 =	simm.s32 @!p1 $0x40;
	s12 =	sadd.s32 @!p1 s4, s12  }
0x29: {  	[tilespmem:s13], [sflag:$0x1] =	stream.strided.gather @!p1 [hbm4b:s12+s14], $0x2000, s15, s14, $0x38;
	[tilespmem:$0x8080] =	vst v63  }
0x2a: {  	p1 =	sge.u32 s31, s6  }
.Ltmp2:
0x2b: {  	_ = 	snop;
	(pc) =	sbr.rel @p1 .LBB1_5-.Ltmp2, $1  }
0x2c: {  	_ =	sdelay $0x3  }
0x2d: {  	s12 =	simm.s32 $0x1  }
0x2e: {  	_ =	swait.ge [sflag:s5], $0x2000;
	s12 =	simm.s32 @!p0 $0x0  }
0x2f: {  	[sflag:s5] =	ssyncset.done $0x0;
	s13 =	sshll.u32 s12, $0xD  }
0x30: {  	[sflag:s5] =	ssyncadd.s32 $0xFFFFE000;
	s16 =	sor.u32 $0x20, s13  }
0x31: {  	s12 =	smul.u32 $0x8100, s12;
	v3 =	vld [tilespmem:s16+$0x10]  }
0x32: {  	s30 =	sand.u32 $0x1, s10;
	v2 =	vld [tilespmem:s16+$0xFFFFFFF0]  }
0x33: {  	s13 =	smul.u32 $0x8100, s30;
	s12 =	sshrl.u32 s12, $0x2;
	v0 =	vld [tilespmem:s16+$0x0]  }
0x34: {  	v1 =	vld [tilespmem:s16+$0xFFFFFFE0];
	s14 =	sor.u32 $0x4000, s12  }
0x35: {  	s31 =	sshrl.u32 s13, $0x2;
	s13 =	sadd.s32 $0x0, s14  }
0x36: {  	s15 =	simm.s32 $0x4;
	s16 =	sadd.s32 $0x40, s16;
	s12 =	sor.u32 $0x4000, s31;
	[tilespmem:s13+$0x1830 ss:$0x81] =	vst.msk $0xffff, v3  }
.LBB1_3:
0x37: {  	v3 =	vld [tilespmem:s16+$0x10];
	p1 =	sne.s32 s15, $0x1FC;
	[tilespmem:s13+$0x810 ss:$0x81] =	vst.msk $0xffff, v2;
	s17 =	smov.u32 s15;
	s15 =	sadd.s32 $0x4, s15  }
.Ltmp3:
0x38: {  	v2 =	vld [tilespmem:s16+$0xFFFFFFF0];
	[tilespmem:s13+$0x1020 ss:$0x81] =	vst.msk $0xffff, v0;
	(pc) =	sbr.rel @p1 .LBB1_3-.Ltmp3, $4  }
0x39: {  	v0 =	vld [tilespmem:s16+$0x0];
	[tilespmem:s13+$0x0 ss:$0x81] =	vst.msk $0xffff, v1  }
0x3a: {  	s13 =	sshra.s32 s17, $0x2;
	v1 =	vld [tilespmem:s16+$0xFFFFFFE0]  }
0x3b: {  	s13 =	sadd.s32 s13, s14  }
0x3c: {  	s16 =	sadd.s32 $0x40, s16;
	[tilespmem:s13+$0x1830 ss:$0x81] =	vst.msk $0xffff, v3  }
.Ltmp4:
0x3d: {  	_ = 	snop;
	(pc) =	sbr.rel .LBB1_4-.Ltmp4, $1  }
0x3e: {  	_ =	sdelay $0x3  }
.LBB1_6:
0x3f: {  	_ =	sfence.sel $0x180000  }
0x40: {  	s2 =	simm.s32 $0x1;
	[bflag:$0x0] =	sbarrier.arrive $0xFFFF  }
0x41: {  	s31 =	simm.s32 $0x2;
	[sflag:s2] =	ssyncpa.u1 $0x1  }
0x42: {  	[sflag:s31] =	ssyncpa.u1 $0x1  }
0x43: {  	p0 =	sne.s32 s0, $0x0;
	_ =	strace $0x9000004A  }
0x44: {  	s0 =	sadd.s32 @!p0 $0x100000, s1;
	[bflag:$0x2] =	sbarrier.arrive $0xFFFF  }
0x45: {  	[sflag:s0] =	ssyncadd.tile.s32 @!p0 $0x1;
	_ =	shalt  }
.Lfunc_end1:
_tile_overlayer_lowered:
.L_overlay_start_2:
0x46: {  	(tag) =	ssettag $0x2  }
0x47: {  	s0 =	rddreg [dreg:$0x0];
	s2 =	stileid.u32  }
0x48: {  	s1 =	rddreg [dreg:$0x1];
	p0 =	sne.s32 s2, $0x0  }
0x49: {  	s3 =	rddreg [dreg:$0x2];
	[bflag:$0x3] =	sbarrier.arrive $0xFFFF;
	s2 =	simm.s32 @!p0 $0x1C01  }
0x4a: {  	[timem:s3], [sflag:s2] =	dma.local @!p0 [hbm:s0], s1  }
0x4b: {  	s0 =	simm.s32 @!p0 $0x1  }
0x4c: {  	_ =	swait.ge @!p0 [sflag:s0], s1  }
0x4d: {  	s1 =	ssub.s32 @!p0 $0x0, s1;
	[sflag:s0] =	ssyncset.done @!p0 $0x0  }
0x4e: {  	[sflag:s0] =	ssyncadd.s32 @!p0 s1  }
0x4f: {  	[bflag:$0x3] =	sbarrier.arrive $0xFFFF  }
0x50: {  	_ =	shalt  }

</sc_bundles>
